<compile_context>
chip_gen: v7x
topology: tpu7x:2x2x1
jax: 0.10.2.dev20260603
libtpu: 0.0.44.dev20260713+nightly
codegen_flags: <defaults>
</compile_context>

<pallas_src>
import functools

import jax
import jax.numpy as jnp
from jax import lax
from jax.experimental import pallas as pl
from jax.experimental.pallas import tpu as pltpu
from jax.experimental.pallas import tpu_sc as plsc

_LANES = 16
_NUM_CORES = 2
_NUM_SUBCORES = 16
_NUM_WORKERS = _NUM_CORES * _NUM_SUBCORES


@functools.lru_cache(maxsize=None)
def _build_gather(batch: int):
  chunk = batch // _NUM_WORKERS
  mesh = plsc.VectorSubcoreMesh(core_axis_name="c", subcore_axis_name="s")

  @functools.partial(
      pl.kernel,
      mesh=mesh,
      out_type=jax.ShapeDtypeStruct((batch,), jnp.float32),
      scratch_types=[
          pltpu.VMEM((chunk,), jnp.int32),
          pltpu.VMEM((chunk,), jnp.float32),
          pltpu.VMEM((_LANES,), jnp.float32),
          pltpu.SemaphoreType.DMA,
          pltpu.SemaphoreType.DMA,
          pltpu.SemaphoreType.DMA,
      ],
  )
  def gather_kernel(idx_hbm, w_hbm, b_hbm, out_hbm, idx_v, vals_v, b_v,
                    sem_i, sem_b, sem_g):
    wid = lax.axis_index("s") * _NUM_CORES + lax.axis_index("c")
    base = wid * chunk
    cp_idx = pltpu.async_copy(idx_hbm.at[pl.ds(base, chunk)], idx_v, sem_i)
    cp_b = pltpu.async_copy(b_hbm, b_v, sem_b)
    cp_idx.wait()
    cp_g = pltpu.async_copy(w_hbm.at[idx_v], vals_v, sem_g)
    cp_b.wait()
    cp_g.wait()
    bias = b_v[...]
    for j in range(chunk // _LANES):
      sl = pl.ds(j * _LANES, _LANES)
      vals_v[sl] = vals_v[sl] + bias
    pltpu.sync_copy(vals_v, out_hbm.at[pl.ds(base, chunk)])

  return gather_kernel


def kernel(n, embedding, W, b):
  del embedding
  batch = n.shape[0]
  nnodes = W.shape[1]
  idx = n.astype(jnp.int32)
  w_flat = W.reshape(nnodes).astype(jnp.float32)
  b_vec = jnp.broadcast_to(b.astype(jnp.float32), (_LANES,))
  out = _build_gather(batch)(idx, w_flat, b_vec)
  return out.reshape(batch, 1)

# --- scband reference (transcript-rebuilt; emitter-appended) ---
"""Pipeline reference for scband-value-790273982703 (READ-ONLY COPY).

The authoritative reference and input builder live on the scoring server;
editing this copy changes nothing except your own understanding.
"""

import jax, jax.numpy as jnp
import numpy as np

NNODES = 10000
BATCH = 4096

def setup_inputs(seed: int = 0) -> dict:
    key = jax.random.key(seed)
    k1, k2 = jax.random.split(key)
    n = jax.random.randint(k1, (BATCH,), 0, NNODES, dtype=jnp.int64) if jax.config.jax_enable_x64 else jax.random.randint(k1, (BATCH,), 0, NNODES)
    # Frozen one-hot embedding table: nn.Embedding.from_pretrained(torch.eye(nnodes))
    embedding = jnp.eye(NNODES, dtype=jnp.float32)
    # nn.Linear(nnodes, 1) weight with xavier_normal_(gain=1.0): std = gain*sqrt(2/(fan_in+fan_out))
    std = float(np.sqrt(2.0 / (NNODES + 1)))
    W = jax.random.normal(k2, (1, NNODES), dtype=jnp.float32) * std
    b = jnp.zeros((1,), dtype=jnp.float32)
    return {"n": n, "embedding": embedding, "W": W, "b": b}

def reference(n, embedding, W, b):
    # em = self.embedding(n)  -> row gather from one-hot table
    em = jnp.take(embedding, n, axis=0)          # [B, NNODES]
    # self.affine(em) -> em @ W.T + b
    out = em @ W.T + b                            # [B, 1]
    return out

if __name__ == "__main__":
    import jax
    _d = setup_inputs()
    print(jax.jit(kernel)(*tuple(_d.values())))

</pallas_src>

<mosaic_0001>
#map = affine_map<(d0, d1) -> (0)>
module attributes {stable_mosaic.version = 14 : i64} {
  func.func @gather_kernel(%arg0: i32, %arg1: i32, %arg2: memref<4096xi32, #tpu.memory_space<hbm>>, %arg3: memref<10000xf32, #tpu.memory_space<hbm>>, %arg4: memref<16xf32, #tpu.memory_space<hbm>>, %arg5: memref<4096xf32, #tpu.memory_space<hbm>>, %arg6: memref<128xi32, #tpu.memory_space<vmem>>, %arg7: memref<128xf32, #tpu.memory_space<vmem>>, %arg8: memref<16xf32, #tpu.memory_space<vmem>>, %arg9: memref<!tpu.dma_semaphore, #tpu.memory_space<semaphore_mem>>, %arg10: memref<!tpu.dma_semaphore, #tpu.memory_space<semaphore_mem>>, %arg11: memref<!tpu.dma_semaphore, #tpu.memory_space<semaphore_mem>>) attributes {dimension_semantics = [#tpu.dimension_semantics<core_parallel>, #tpu.dimension_semantics<subcore_parallel>], iteration_bounds = array<i64: 2, 16>, scalar_prefetch = 0 : i64, scratch_operands = 6 : i64, tpu.core_type = #tpu.core_type<sc_vector_subcore>, window_params = [{transform_indices = #map}, {transform_indices = #map}, {transform_indices = #map}, {transform_indices = #map}]} {
    %mul3A = arith.constant 2 : i32
    %mul3A_0 = arith.muli %arg1, %mul3A : i32
    %add3A = arith.addi %mul3A_0, %arg0 : i32
    %mul3A_1 = arith.constant 128 : i32
    %mul3A_2 = arith.muli %add3A, %mul3A_1 : i32
    %dma_start3A = tpu.memref_slice %arg2[%mul3A_2] : memref<4096xi32, #tpu.memory_space<hbm>> -> memref<128xi32, #tpu.memory_space<hbm>>
    %dma_start3A_3 = tpu.memref_slice %arg2[%mul3A_2] : memref<4096xi32, #tpu.memory_space<hbm>> -> memref<128xi32, #tpu.memory_space<hbm>>
    tpu.enqueue_dma source(%dma_start3A_3 : memref<128xi32, #tpu.memory_space<hbm>>) target(%arg6 : memref<128xi32, #tpu.memory_space<vmem>>) target_semaphore(%arg9 : memref<!tpu.dma_semaphore, #tpu.memory_space<semaphore_mem>>)
    tpu.enqueue_dma source(%arg4 : memref<16xf32, #tpu.memory_space<hbm>>) target(%arg8 : memref<16xf32, #tpu.memory_space<vmem>>) target_semaphore(%arg10 : memref<!tpu.dma_semaphore, #tpu.memory_space<semaphore_mem>>)
    %dma_wait3A = tpu.memref_slice %arg2[%mul3A_2] : memref<4096xi32, #tpu.memory_space<hbm>> -> memref<128xi32, #tpu.memory_space<hbm>>
    %dma_wait3A_4 = tpu.memref_slice %arg2[%mul3A_2] : memref<4096xi32, #tpu.memory_space<hbm>> -> memref<128xi32, #tpu.memory_space<hbm>>
    tpu.wait_dma2 semaphore(%arg9 : memref<!tpu.dma_semaphore, #tpu.memory_space<semaphore_mem>>) src(%dma_wait3A_4 : memref<128xi32, #tpu.memory_space<hbm>>) dst(%arg6 : memref<128xi32, #tpu.memory_space<vmem>>)
    %dma_start3A_5 = arith.constant 0 : i32
    %dma_start3A_6 = tpu.memref_slice %arg3[%dma_start3A_5] : memref<10000xf32, #tpu.memory_space<hbm>> -> memref<10000xf32, #tpu.memory_space<hbm>>
    tpu.enqueue_indirect_dma source(%dma_start3A_6 : memref<10000xf32, #tpu.memory_space<hbm>>) target(%arg7 : memref<128xf32, #tpu.memory_space<vmem>>) offsets(%arg6 : memref<128xi32, #tpu.memory_space<vmem>>) semaphore(%arg11 : memref<!tpu.dma_semaphore, #tpu.memory_space<semaphore_mem>>)
    tpu.wait_dma2 semaphore(%arg10 : memref<!tpu.dma_semaphore, #tpu.memory_space<semaphore_mem>>) src(%arg4 : memref<16xf32, #tpu.memory_space<hbm>>) dst(%arg8 : memref<16xf32, #tpu.memory_space<vmem>>)
    %dma_wait3A_7 = arith.constant 0 : i32
    %dma_wait3A_8 = tpu.memref_slice %arg3[%dma_wait3A_7] : memref<10000xf32, #tpu.memory_space<hbm>> -> memref<10000xf32, #tpu.memory_space<hbm>>
    tpu.wait_indirect_dma semaphore(%arg11 : memref<!tpu.dma_semaphore, #tpu.memory_space<semaphore_mem>>) src(%dma_wait3A_8 : memref<10000xf32, #tpu.memory_space<hbm>>) dst(%arg7 : memref<128xf32, #tpu.memory_space<vmem>>)
    %get3A = arith.constant 0 : index
    %get3A_9 = tpu.vector_load %arg8[%get3A] {strides = array<i32>} : memref<16xf32, #tpu.memory_space<vmem>>, vector<16xf32>,
    %get3A_10 = vector.shape_cast %get3A_9 : vector<16xf32> to vector<16xf32>
    %get3A_11 = arith.constant 0 : index
    %get3A_12 = tpu.vector_load %arg7[%get3A_11] {strides = array<i32>} : memref<128xf32, #tpu.memory_space<vmem>>, vector<16xf32>,
    %get3A_13 = vector.shape_cast %get3A_12 : vector<16xf32> to vector<16xf32>
    %add3A_14 = arith.addf %get3A_13, %get3A_10 : vector<16xf32>
    %swap3A = arith.constant 0 : index
    %swap3A_15 = tpu.vector_load %arg7[%swap3A] {strides = array<i32>} : memref<128xf32, #tpu.memory_space<vmem>>, vector<16xf32>,
    %swap3A_16 = vector.shape_cast %swap3A_15 : vector<16xf32> to vector<16xf32>
    %swap3A_17 = vector.shape_cast %add3A_14 : vector<16xf32> to vector<16xf32>
    tpu.vector_store %arg7[%swap3A], %swap3A_17 {strides = array<i32>} : memref<128xf32, #tpu.memory_space<vmem>>, vector<16xf32>,
    %get3A_18 = arith.constant 16 : index
    %get3A_19 = tpu.vector_load %arg7[%get3A_18] {strides = array<i32>} : memref<128xf32, #tpu.memory_space<vmem>>, vector<16xf32>,
    %get3A_20 = vector.shape_cast %get3A_19 : vector<16xf32> to vector<16xf32>
    %add3A_21 = arith.addf %get3A_20, %get3A_10 : vector<16xf32>
    %swap3A_22 = arith.constant 16 : index
    %swap3A_23 = tpu.vector_load %arg7[%swap3A_22] {strides = array<i32>} : memref<128xf32, #tpu.memory_space<vmem>>, vector<16xf32>,
    %swap3A_24 = vector.shape_cast %swap3A_23 : vector<16xf32> to vector<16xf32>
    %swap3A_25 = vector.shape_cast %add3A_21 : vector<16xf32> to vector<16xf32>
    tpu.vector_store %arg7[%swap3A_22], %swap3A_25 {strides = array<i32>} : memref<128xf32, #tpu.memory_space<vmem>>, vector<16xf32>,
    %get3A_26 = arith.constant 32 : index
    %get3A_27 = tpu.vector_load %arg7[%get3A_26] {strides = array<i32>} : memref<128xf32, #tpu.memory_space<vmem>>, vector<16xf32>,
    %get3A_28 = vector.shape_cast %get3A_27 : vector<16xf32> to vector<16xf32>
    %add3A_29 = arith.addf %get3A_28, %get3A_10 : vector<16xf32>
    %swap3A_30 = arith.constant 32 : index
    %swap3A_31 = tpu.vector_load %arg7[%swap3A_30] {strides = array<i32>} : memref<128xf32, #tpu.memory_space<vmem>>, vector<16xf32>,
    %swap3A_32 = vector.shape_cast %swap3A_31 : vector<16xf32> to vector<16xf32>
    %swap3A_33 = vector.shape_cast %add3A_29 : vector<16xf32> to vector<16xf32>
    tpu.vector_store %arg7[%swap3A_30], %swap3A_33 {strides = array<i32>} : memref<128xf32, #tpu.memory_space<vmem>>, vector<16xf32>,
    %get3A_34 = arith.constant 48 : index
    %get3A_35 = tpu.vector_load %arg7[%get3A_34] {strides = array<i32>} : memref<128xf32, #tpu.memory_space<vmem>>, vector<16xf32>,
    %get3A_36 = vector.shape_cast %get3A_35 : vector<16xf32> to vector<16xf32>
    %add3A_37 = arith.addf %get3A_36, %get3A_10 : vector<16xf32>
    %swap3A_38 = arith.constant 48 : index
    %swap3A_39 = tpu.vector_load %arg7[%swap3A_38] {strides = array<i32>} : memref<128xf32, #tpu.memory_space<vmem>>, vector<16xf32>,
    %swap3A_40 = vector.shape_cast %swap3A_39 : vector<16xf32> to vector<16xf32>
    %swap3A_41 = vector.shape_cast %add3A_37 : vector<16xf32> to vector<16xf32>
    tpu.vector_store %arg7[%swap3A_38], %swap3A_41 {strides = array<i32>} : memref<128xf32, #tpu.memory_space<vmem>>, vector<16xf32>,
    %get3A_42 = arith.constant 64 : index
    %get3A_43 = tpu.vector_load %arg7[%get3A_42] {strides = array<i32>} : memref<128xf32, #tpu.memory_space<vmem>>, vector<16xf32>,
    %get3A_44 = vector.shape_cast %get3A_43 : vector<16xf32> to vector<16xf32>
    %add3A_45 = arith.addf %get3A_44, %get3A_10 : vector<16xf32>
    %swap3A_46 = arith.constant 64 : index
    %swap3A_47 = tpu.vector_load %arg7[%swap3A_46] {strides = array<i32>} : memref<128xf32, #tpu.memory_space<vmem>>, vector<16xf32>,
    %swap3A_48 = vector.shape_cast %swap3A_47 : vector<16xf32> to vector<16xf32>
    %swap3A_49 = vector.shape_cast %add3A_45 : vector<16xf32> to vector<16xf32>
    tpu.vector_store %arg7[%swap3A_46], %swap3A_49 {strides = array<i32>} : memref<128xf32, #tpu.memory_space<vmem>>, vector<16xf32>,
    %get3A_50 = arith.constant 80 : index
    %get3A_51 = tpu.vector_load %arg7[%get3A_50] {strides = array<i32>} : memref<128xf32, #tpu.memory_space<vmem>>, vector<16xf32>,
    %get3A_52 = vector.shape_cast %get3A_51 : vector<16xf32> to vector<16xf32>
    %add3A_53 = arith.addf %get3A_52, %get3A_10 : vector<16xf32>
    %swap3A_54 = arith.constant 80 : index
    %swap3A_55 = tpu.vector_load %arg7[%swap3A_54] {strides = array<i32>} : memref<128xf32, #tpu.memory_space<vmem>>, vector<16xf32>,
    %swap3A_56 = vector.shape_cast %swap3A_55 : vector<16xf32> to vector<16xf32>
    %swap3A_57 = vector.shape_cast %add3A_53 : vector<16xf32> to vector<16xf32>
    tpu.vector_store %arg7[%swap3A_54], %swap3A_57 {strides = array<i32>} : memref<128xf32, #tpu.memory_space<vmem>>, vector<16xf32>,
    %get3A_58 = arith.constant 96 : index
    %get3A_59 = tpu.vector_load %arg7[%get3A_58] {strides = array<i32>} : memref<128xf32, #tpu.memory_space<vmem>>, vector<16xf32>,
    %get3A_60 = vector.shape_cast %get3A_59 : vector<16xf32> to vector<16xf32>
    %add3A_61 = arith.addf %get3A_60, %get3A_10 : vector<16xf32>
    %swap3A_62 = arith.constant 96 : index
    %swap3A_63 = tpu.vector_load %arg7[%swap3A_62] {strides = array<i32>} : memref<128xf32, #tpu.memory_space<vmem>>, vector<16xf32>,
    %swap3A_64 = vector.shape_cast %swap3A_63 : vector<16xf32> to vector<16xf32>
    %swap3A_65 = vector.shape_cast %add3A_61 : vector<16xf32> to vector<16xf32>
    tpu.vector_store %arg7[%swap3A_62], %swap3A_65 {strides = array<i32>} : memref<128xf32, #tpu.memory_space<vmem>>, vector<16xf32>,
    %get3A_66 = arith.constant 112 : index
    %get3A_67 = tpu.vector_load %arg7[%get3A_66] {strides = array<i32>} : memref<128xf32, #tpu.memory_space<vmem>>, vector<16xf32>,
    %get3A_68 = vector.shape_cast %get3A_67 : vector<16xf32> to vector<16xf32>
    %add3A_69 = arith.addf %get3A_68, %get3A_10 : vector<16xf32>
    %swap3A_70 = arith.constant 112 : index
    %swap3A_71 = tpu.vector_load %arg7[%swap3A_70] {strides = array<i32>} : memref<128xf32, #tpu.memory_space<vmem>>, vector<16xf32>,
    %swap3A_72 = vector.shape_cast %swap3A_71 : vector<16xf32> to vector<16xf32>
    %swap3A_73 = vector.shape_cast %add3A_69 : vector<16xf32> to vector<16xf32>
    tpu.vector_store %arg7[%swap3A_70], %swap3A_73 {strides = array<i32>} : memref<128xf32, #tpu.memory_space<vmem>>, vector<16xf32>,
    "tpu.region"() ({
      %run_scoped3A = tpu.sem_alloc : memref<!tpu.dma_semaphore, #tpu.memory_space<semaphore_mem>>
      %dma_start3A_74 = tpu.memref_slice %arg5[%mul3A_2] : memref<4096xf32, #tpu.memory_space<hbm>> -> memref<128xf32, #tpu.memory_space<hbm>>
      %dma_start3A_75 = tpu.memref_slice %arg5[%mul3A_2] : memref<4096xf32, #tpu.memory_space<hbm>> -> memref<128xf32, #tpu.memory_space<hbm>>
      tpu.enqueue_dma source(%arg7 : memref<128xf32, #tpu.memory_space<vmem>>) target(%dma_start3A_75 : memref<128xf32, #tpu.memory_space<hbm>>) target_semaphore(%run_scoped3A : memref<!tpu.dma_semaphore, #tpu.memory_space<semaphore_mem>>)
      %dma_wait3A_76 = tpu.memref_slice %arg5[%mul3A_2] : memref<4096xf32, #tpu.memory_space<hbm>> -> memref<128xf32, #tpu.memory_space<hbm>>
      %dma_wait3A_77 = tpu.memref_slice %arg5[%mul3A_2] : memref<4096xf32, #tpu.memory_space<hbm>> -> memref<128xf32, #tpu.memory_space<hbm>>
      tpu.wait_dma2 semaphore(%run_scoped3A : memref<!tpu.dma_semaphore, #tpu.memory_space<semaphore_mem>>) src(%arg7 : memref<128xf32, #tpu.memory_space<vmem>>) dst(%dma_wait3A_77 : memref<128xf32, #tpu.memory_space<hbm>>)
      tpu.yield
    }) : () -> ()
    return
  }
}

</mosaic_0001>

<sc_bundles>
// kernel: kernel.3.cloned.1.call-start
scs
__scs_entry_jumppad:
0x0: {  	(pc) =	sbr.rel $0x88, $3  }
0x1: {  	(tag) =	ssettag $0x0;
	lr =	simm.s32 $0x1  }
0x2: {  	[smem:$0x3F9E] =	sst lr;
	_ =	strace $0xD0000000  }
0x3: {  	_ = 	snop  }
0x4: {  	_ = 	snop  }
0x5: {  	_ = 	snop  }
0x6: {  	_ = 	snop  }
0x7: {  	_ = 	snop  }
__scs_overlays_trampoline_lowered:
0x8: {  	[smem:$0x3FAD] =	sst s0  }
0x9: {  	[smem:$0x3FAE] =	sst s1  }
0xa: {  	[smem:$0x3FAF] =	sst s2  }
0xb: {  	[smem:$0x3FB0] =	sst s3  }
0xc: {  	[smem:$0x3FB1] =	sst s4  }
0xd: {  	[smem:$0x3FB2] =	sst s5  }
0xe: {  	[smem:$0x3FB3] =	sst s6  }
0xf: {  	[smem:$0x3FB4] =	sst s7  }
0x10: {  	[smem:$0x3FB5] =	sst s8  }
0x11: {  	[smem:$0x3FB6] =	sst s9;
	s0 =	simm.s32 @!p0 $0x0  }
0x12: {  	s1 =	sld [smem:$0x3F9C];
	s0 =	simm.s32 @p0 $0x1  }
0x13: {  	[smem:$0x3FB7] =	sst s0;
	s0 =	simm.s32 @!p1 $0x0  }
0x14: {  	s2 =	sld [smem:$0x3F9B];
	s0 =	simm.s32 @p1 $0x1  }
0x15: {  	[smem:$0x3FB8] =	sst s0;
	s0 =	simm.s32 @!p2 $0x0  }
0x16: {  	s3 =	sld [smem:$0x3FDB];
	s0 =	simm.s32 @p2 $0x1  }
0x17: {  	s4 =	simm.s32 $0x1BF5;
	[smem:$0x3FBA] =	sst s0  }
0x18: {  	s0 =	sld [smem:$0x3F9D];
	_ =	swait.ge [sflag:s4], $0x0  }
0x19: {  	s7 =	sld [smem:$0x3F9E]  }
0x1a: {  	s8 =	sadd.s32 $0xFFFFE003, lr  }
0x1b: {  	s9 =	sadd.s32 $0xFFFFFEF7, lr;
	s5 =	simm.s32 $0xFFFFFFFF;
	p2 =	slt.u32 s8, $0xFFFFF086  }
0x1c: {  	p1 =	slt.u32 s9, $0xF7A;
	s5 =	simm.s32 @!p2 $0x0  }
0x1d: {  	s5 =	simm.s32 @p1 $0x1;
	p0 =	seq.s32 s7, s2  }
0x1e: {  	s7 =	smul.u32 @!p0 $0xF7A, s2;
	p2 =	seq.s32 @!p0 s5, $0x0  }
0x1f: {  	s9 =	smul.u32 $0xF7A, s1;
	s8 =	simm.s32 @!p0 $0x1BF5;
	p2 =	por !p2, p0  }
0x20: {  	[sflag:s8] =	ssyncset.s32 @!p0 $0xFFFFF086;
	s6 =	sadd.s32 @!p0 s3, s7;
	s7 =	simm.s32 @!p0 $0x108  }
0x21: {  	s3 =	sadd.s32 s3, s9;
	s6 =	sadd.s32 @!p0 $0x88, s6;
	s7 =	simm.s32 @p2 $0x1082  }
0x22: {  	[simem:s7], [sflag:s8] =	dma.local @!p0 [hbm:s6], $0xF7A  }
0x23: {  	s9 =	sor.u32 $0xD0000000, s2;
	s6 =	simm.s32 $0x108;
	_ =	swait.ge @!p0 [sflag:s8], $0x0  }
0x24: {  	s3 =	sadd.s32 $0x88, s3;
	s6 =	simm.s32 @!p1 $0x1082;
	[sflag:s4] =	ssyncset.s32 $0xFFFFF086  }
0x25: {  	[simem:s6], [sflag:s4] =	dma.local [hbm:s3], $0xF7A  }
0x26: {  	[smem:$0x3F9E] =	sst s1;
	(tag) =	ssettag s2;
	_ =	strace s9  }
0x27: {  	s1 =	sld [smem:$0x3FAE]  }
0x28: {  	s2 =	sld [smem:$0x3FAF]  }
0x29: {  	s4 =	sld [smem:$0x3FB1]  }
0x2a: {  	p0 =	seq.s32 s5, $0x0;
	s5 =	sld [smem:$0x3FB2]  }
0x2b: {  	s6 =	sld [smem:$0x3FB3]  }
0x2c: {  	s7 =	sld [smem:$0x3FB4]  }
0x2d: {  	s3 =	simm.s32 $0x108;
	s8 =	sld [smem:$0x3FB5]  }
0x2e: {  	s3 =	simm.s32 @!p0 $0x1082;
	s9 =	sld [smem:$0x3FB6]  }
0x2f: {  	lr =	sadd.s32 s0, s3;
	s0 =	sld [smem:$0x3FAD]  }
0x30: {  	s3 =	sld [smem:$0x3FB0]  }
0x31: {  	[smem:$0x3FB9] =	sst s10  }
0x32: {  	s10 =	sld [smem:$0x3FB7];
	_ =	sdelay $0x3  }
0x33: {  	p0 =	seq.s32 s10, $0x1;
	s10 =	sld [smem:$0x3FB9];
	_ =	sdelay $0x3  }
0x34: {  	[smem:$0x3FB9] =	sst s10  }
0x35: {  	s10 =	sld [smem:$0x3FB8];
	_ =	sdelay $0x3  }
0x36: {  	p1 =	seq.s32 s10, $0x1;
	s10 =	sld [smem:$0x3FB9];
	_ =	sdelay $0x3  }
0x37: {  	[smem:$0x3FB9] =	sst s10  }
0x38: {  	s10 =	sld [smem:$0x3FBA]  }
0x39: {  	_ = 	snop;
	(pc) =	sbr.ind lr, $3  }
0x3a: {  	_ = 	snop  }
0x3b: {  	_ = 	snop  }
0x3c: {  	p2 =	seq.s32 s10, $0x1;
	s10 =	sld [smem:$0x3FB9]  }
0x3d: {  	_ =	shalt  }
0x3e: {  	_ =	shalt  }
0x3f: {  	_ =	shalt  }
0x40: {  	_ =	shalt  }
0x41: {  	_ =	shalt  }
0x42: {  	_ =	shalt  }
0x43: {  	_ =	shalt  }
0x44: {  	_ =	shalt  }
0x45: {  	_ =	shalt  }
0x46: {  	_ =	shalt  }
0x47: {  	_ =	shalt  }
0x48: {  	_ =	shalt  }
0x49: {  	_ =	shalt  }
0x4a: {  	_ =	shalt  }
0x4b: {  	_ =	shalt  }
0x4c: {  	_ =	shalt  }
0x4d: {  	_ =	shalt  }
0x4e: {  	_ =	shalt  }
0x4f: {  	_ =	shalt  }
0x50: {  	_ =	shalt  }
0x51: {  	_ =	shalt  }
0x52: {  	_ =	shalt  }
0x53: {  	_ =	shalt  }
0x54: {  	_ =	shalt  }
0x55: {  	_ =	shalt  }
0x56: {  	_ =	shalt  }
0x57: {  	_ =	shalt  }
0x58: {  	_ =	shalt  }
0x59: {  	_ =	shalt  }
0x5a: {  	_ =	shalt  }
0x5b: {  	_ =	shalt  }
0x5c: {  	_ =	shalt  }
0x5d: {  	_ =	shalt  }
0x5e: {  	_ =	shalt  }
0x5f: {  	_ =	shalt  }
0x60: {  	_ =	shalt  }
0x61: {  	_ =	shalt  }
0x62: {  	_ =	shalt  }
0x63: {  	_ =	shalt  }
0x64: {  	_ =	shalt  }
0x65: {  	_ =	shalt  }
0x66: {  	_ =	shalt  }
0x67: {  	_ =	shalt  }
0x68: {  	_ =	shalt  }
0x69: {  	_ =	shalt  }
0x6a: {  	_ =	shalt  }
0x6b: {  	_ =	shalt  }
0x6c: {  	_ =	shalt  }
0x6d: {  	_ =	shalt  }
0x6e: {  	_ =	shalt  }
0x6f: {  	_ =	shalt  }
0x70: {  	_ =	shalt  }
0x71: {  	_ =	shalt  }
0x72: {  	_ =	shalt  }
0x73: {  	_ =	shalt  }
0x74: {  	_ =	shalt  }
0x75: {  	_ =	shalt  }
0x76: {  	_ =	shalt  }
0x77: {  	_ =	shalt  }
0x78: {  	_ =	shalt  }
0x79: {  	_ =	shalt  }
0x7a: {  	_ =	shalt  }
0x7b: {  	_ =	shalt  }
0x7c: {  	_ =	shalt  }
0x7d: {  	_ =	shalt  }
0x7e: {  	_ =	shalt  }
0x7f: {  	_ =	shalt  }
0x80: {  	_ =	shalt  }
0x81: {  	_ =	shalt  }
0x82: {  	_ =	shalt  }
0x83: {  	_ =	shalt  }
0x84: {  	_ =	shalt  }
0x85: {  	_ =	shalt  }
0x86: {  	_ =	shalt  }
0x87: {  	_ =	shalt  }
.Lfunc_end0:
.L_simem_size_0:
called_computation_lowered:
.L_overlay_start_0:
0x88: {  	s2 =	sld [smem:$0x3FD9]  }
0x89: {  	s3 =	sld [smem:$0x3FFE];
	_ =	sdelay $0x1  }
0x8a: {  	s1 =	srdreg.scid  }
0x8b: {  	s0 =	sand.u32 $0x1, s1  }
0x8c: {  	s17 =	sshll.u32 s0, $0xA;
	s2 =	sadd.s32 s3, s2  }
0x8d: {  	s2 =	sadd.s32 s2, s17  }
0x8e: {  	[smem:$0x3FC5] =	sst s2  }
0x8f: {  	_ = 	snop  }
0x90: {  	s2 =	sld [smem:$0x3FC9]  }
0x91: {  	s18 =	sld [smem:$0x3FD0];
	(tm) =	ssettm $0x1  }
0x92: {  	s4 =	sld [smem:$0x3FFB];
	_ =	sdelay $0x3  }
0x93: {  	_ =	strace s4  }
0x94: {  	s4 =	sld [smem:$0x3FFC];
	_ =	sdelay $0x3  }
0x95: {  	_ =	strace s4  }
0x96: {  	s4 =	sld [smem:$0x3FFD];
	_ =	sdelay $0x3  }
0x97: {  	_ =	strace s4  }
0x98: {  	_ =	strace $0x8FFFFFFF  }
0x99: {  	s19 =	sld [smem:$0x3FDB];
	_ =	sdelay $0x1  }
0x9a: {  	s5 =	simm.s32 $_scs_section_size  }
0x9b: {  	s6 =	simm.s32 $_size__tile_overlayer_lowered;
	s7 =	simm.s32 $_tile_overlayer_lowered  }
0x9c: {  	s22 =	simm.s32 $0x1BFF;
	s21 =	sshll.u32 s7, $0x1;
	s4 =	sadd.s32 s5, s19  }
0x9d: {  	s8 =	simm.s32 $0x0;
	s20 =	sshll.u32 s6, $0x1;
	s6 =	sadd.s32 s21, s4  }
0x9e: {  	[timem:s8], [sflag:s22] =	dma.local [hbm:s6], s20  }
0x9f: {  	_ =	swait.ge [sflag:s22], s20  }
0xa0: {  	s5 =	ssub.s32 $0x0, s20;
	[sflag:s22] =	ssyncset.done $0x0  }
0xa1: {  	[sflag:s22] =	ssyncadd.s32 s5;
	_ =	sdelay $0x1  }
0xa2: {  	s23 =	simm.s32 $0x1B8B  }
0xa3: {  	_ =	swait.ge [sflag:s23], $0x1  }
0xa4: {  	[sflag:s23] =	ssyncset.done $0x0  }
0xa5: {  	s25 =	simm.s32 $0x1B8E;
	s24 =	sld [smem:$0x3FFE];
	[sflag:s23] =	ssyncadd.s32 $0xFFFFFFFF  }
0xa6: {  	s26 =	simm.s32 $execute0_lowered;
	[smem:$0x3FD2] =	sst s25  }
0xa7: {  	s6 =	sshll.u32 s26, $0x1;
	_ =	strace $0x80000046;
	[dreg:$0x1] =	wrdreg $0xFFFFFFFF  }
0xa8: {  	s28 =	simm.s32 $_size_execute0_lowered;
	s4 =	sadd.s32 s4, s6;
	[dreg:$0x0] =	wrdreg $0x0  }
0xa9: {  	s6 =	sshll.u32 s28, $0x1;
	[dreg:$0x2] =	wrdreg s4  }
0xaa: {  	[dreg:$0x3] =	wrdreg s6  }
0xab: {  	[dreg:$0x4] =	wrdreg $0xC0  }
0xac: {  	_ =	task [dreg:s8], $0x5FFFF  }
0xad: {  	[dreg:$0x1] =	wrdreg $0xFFFFFFFF  }
0xae: {  	[dreg:$0x0] =	wrdreg $0x60  }
0xaf: {  	[dreg:$0x2] =	wrdreg s2  }
0xb0: {  	[dreg:$0x3] =	wrdreg s24  }
0xb1: {  	[dreg:$0x4] =	wrdreg s18  }
0xb2: {  	[dreg:$0x5] =	wrdreg $0x9  }
0xb3: {  	_ =	task.clear_ibuf [dreg:s8], $0x6FFFF;
	_ =	strace $0x90000046  }
0xb4: {  	s29 =	simm.s32 $0x9;
	_ =	strace $0x80000048  }
0xb5: {  	_ =	swait.ge [sflag:s29], $0x1  }
0xb6: {  	[sflag:s29] =	ssyncadd.s32 $0xFFFFFFFF  }
0xb7: {  	_ =	strace $0x90000048  }
0xb8: {  	_ =	sfence  }
0xb9: {  	s30 =	sld [smem:$0x0];
	_ =	sdelay $0x2  }
0xba: {  	s31 =	sshll.u32 s1, $0xD;
	s1 =	sshrl.u32 s1, $0x2  }
0xbb: {  	s3 =	sand.u32 $0x4000, s31;
	s1 =	sadd.s32 s1, s30  }
0xbc: {  	s0 =	sor.u32 s3, s0;
	s1 =	sshll.u32 s1, $0x11  }
0xbd: {  	s0 =	sor.u32 s1, s0  }
0xbe: {  	s0 =	sadd.s32 $0x8F2B, s0  }
0xbf: {  	[sflag:s0] =	ssyncadd.remote.s32 $0x1  }
0xc0: {  	_ =	sfence.sel $0xFFFF  }
0xc1: {  	[dreg:$0x0] =	wrdreg $0xFFFFFFFF;
	(pc) =	sbr.abs _section_cstart, $3  }
0xc2: {  	[dreg:$0x1] =	wrdreg $0xFFFFFFFF  }
0xc3: {  	_ =	task.clear_ibuf [dreg:s8], $0x2FFFF;
	_ =	strace $0x9FFFFFFF  }
0xc4: {  	(tm) =	ssettm $0x7FFFFFFF  }
0xc5: {  	_ =	shalt  }
tec
execute0_lowered:
.L_overlay_start_1:
0x0: {  	(tag) =	ssettag $0x1  }
0x1: {  	s1 =	srdreg.scid  }
0x2: {  	s3 =	rddreg [dreg:$0x0];
	s5 =	sand.u32 $0x1, s1  }
0x3: {  	s6 =	rddreg [dreg:$0x1];
	s8 =	ssub.s32 $0x2, s5  }
0x4: {  	s4 =	rddreg [dreg:$0x2];
	s9 =	sshrl.u32 s8, $0x1  }
0x5: {  	s0 =	rddreg [dreg:$0x3];
	s8 =	ssub.s32 s8, s9  }
0x6: {  	s2 =	simm.s32 $0x0;
	s12 =	simm.s32 $0x100;
	s13 =	smax.u32 s8, $0x1  }
0x7: {  	s11 =	simm.s32 $0x1;
	s1 =	stileid.u32;
	p1 =	sne.s32 s13, $0x1  }
.Ltmp0:
0x8: {  	s10 =	sshll.u32 s1, $0x5;
	s5 =	sshll.u32 s5, $0x4;
	(pc) =	sbr.rel @!p1 .LBB2_3-.Ltmp0, $4  }
0x9: {  	p0 =	por $0x0, $0x0;
	[smem:$0x7FF] =	sst s2;
	s5 =	sor.u32 s5, s10  }
0xa: {  	s7 =	sadd.s32 $0x600, s6;
	_ =	strace $0x80000047;
	s10 =	sadd.s32 s3, s5  }
0xb: {  	s3 =	sadd.s32 s4, s5;
	s4 =	simm.s32 $0x80;
	s9 =	simm.s32 $0x2  }
0xc: {  	s5 =	simm.s32 $0x4;
	s8 =	simm.s32 $0x3;
	s13 =	sadd.s32 $0xFFFFFFFF, s13  }
0xd: {  	[tilespmem:s2], [sflag:$0x1] =	stream.linear.gather [hbm4b:s10+s2], $0x80, $0x38;
	[tilespmem:$0x180] =	vst v63  }
0xe: {  	_ = 	snop  }
0xf: {  	[tilespmem:s12], [sflag:$0x2] =	stream.linear.gather [hbm4b:s7+s2], $0x80, $0x38;
	[tilespmem:$0x180] =	vst v63  }
0x10: {  	_ =	swait.ge [sflag:s11], $0x80  }
0x11: {  	[sflag:s11] =	ssyncset.done $0x0  }
0x12: {  	[sflag:s11] =	ssyncadd.s32 $0xFFFFFF80  }
0x13: {  	[tilespmem:s4], [sflag:$0x3] =	stream.indirect.gather [hbm4b:s6+s4], $0x1, s2, s4, $0xb8;
	[tilespmem:$0x180] =	vst v63  }
0x14: {  	_ =	swait.ge [sflag:s9], $0x80  }
0x15: {  	[sflag:s9] =	ssyncset.done $0x0  }
0x16: {  	[sflag:s9] =	ssyncadd.s32 $0xFFFFFF80  }
0x17: {  	_ =	swait.ge [sflag:s8], $0x80  }
0x18: {  	[sflag:s8] =	ssyncset.done $0x0  }
0x19: {  	[sflag:s8] =	ssyncadd.s32 $0xFFFFFF80  }
0x1a: {  	v2 =	vld [tilespmem:$0xE0]  }
0x1b: {  	v4 =	vld [tilespmem:$0xA0]  }
0x1c: {  	p1 =	sne.s32 s13, $0x1;
	v5 =	vld [tilespmem:$0x80]  }
.Ltmp1:
0x1d: {  	v0 =	vld [tilespmem:$0x100];
	(pc) =	sbr.rel @!p1 .LBB2_3-.Ltmp1, $4  }
0x1e: {  	v6 =	vld [tilespmem:$0xD0]  }
0x1f: {  	v1 =	vld [tilespmem:$0x90]  }
0x20: {  	v3 =	vld [tilespmem:$0xF0]  }
0x21: {  	s13 =	sadd.s32 $0xFFFFFFFF, s13;
	p0 =	por $0x1, $0x1;
	v7 =	vld [tilespmem:$0xC0]  }
.LBB2_2:
0x22: {  	p1 =	sne.s32 s13, $0x1;
	s13 =	sadd.s32 $0xFFFFFFFF, s13;
	v4 =	vadd.f32 v4, v0;
	v8 =	vld [tilespmem:$0xB0];
	v2 =	vadd.f32 v2, v0  }
0x23: {  	v5 =	vadd.f32 v5, v0;
	v6 =	vadd.f32 v6, v0  }
0x24: {  	[tilespmem:$0xA0] =	vst v4  }
0x25: {  	[tilespmem:$0x80] =	vst v5  }
0x26: {  	v4 =	vadd.f32 v7, v0;
	[tilespmem:$0xE0] =	vst v2;
	v2 =	vadd.f32 v3, v0  }
0x27: {  	v1 =	vadd.f32 v1, v0;
	v0 =	vadd.f32 v8, v0;
	[tilespmem:$0xD0] =	vst v6  }
0x28: {  	[tilespmem:$0xC0] =	vst v4  }
0x29: {  	[tilespmem:$0xF0] =	vst v2  }
0x2a: {  	[tilespmem:$0x90] =	vst v1  }
0x2b: {  	[tilespmem:$0xB0] =	vst v0  }
0x2c: {  	[hbm4b:s3+s2] =	stream.linear.scatter [tilespmem:s4], [sflag:$0x4], $0x80, $0x38;
	[tilespmem:$0x180] =	vst v63  }
0x2d: {  	_ =	swait.ge [sflag:s5], $0x80  }
0x2e: {  	[sflag:s5] =	ssyncset.done $0x0  }
0x2f: {  	[sflag:s5] =	ssyncadd.s32 $0xFFFFFF80  }
0x30: {  	[tilespmem:s2], [sflag:$0x1] =	stream.linear.gather [hbm4b:s10+s2], $0x80, $0x38;
	[tilespmem:$0x180] =	vst v63  }
0x31: {  	_ = 	snop  }
0x32: {  	[tilespmem:s12], [sflag:$0x2] =	stream.linear.gather [hbm4b:s7+s2], $0x80, $0x38;
	[tilespmem:$0x180] =	vst v63  }
0x33: {  	_ =	swait.ge [sflag:s11], $0x80  }
0x34: {  	[sflag:s11] =	ssyncset.done $0x0  }
0x35: {  	[sflag:s11] =	ssyncadd.s32 $0xFFFFFF80  }
0x36: {  	[tilespmem:s4], [sflag:$0x3] =	stream.indirect.gather [hbm4b:s6+s4], $0x1, s2, s4, $0xb8;
	[tilespmem:$0x180] =	vst v63  }
0x37: {  	_ =	swait.ge [sflag:s9], $0x80  }
0x38: {  	[sflag:s9] =	ssyncset.done $0x0  }
0x39: {  	[sflag:s9] =	ssyncadd.s32 $0xFFFFFF80  }
0x3a: {  	_ =	swait.ge [sflag:s8], $0x80  }
0x3b: {  	[sflag:s8] =	ssyncset.done $0x0  }
0x3c: {  	[sflag:s8] =	ssyncadd.s32 $0xFFFFFF80  }
0x3d: {  	v2 =	vld [tilespmem:$0xE0]  }
0x3e: {  	v4 =	vld [tilespmem:$0xA0]  }
0x3f: {  	v5 =	vld [tilespmem:$0x80]  }
.Ltmp2:
0x40: {  	v0 =	vld [tilespmem:$0x100];
	(pc) =	sbr.rel @p1 .LBB2_2-.Ltmp2, $4  }
0x41: {  	v6 =	vld [tilespmem:$0xD0]  }
0x42: {  	v1 =	vld [tilespmem:$0x90]  }
0x43: {  	v3 =	vld [tilespmem:$0xF0]  }
0x44: {  	v7 =	vld [tilespmem:$0xC0]  }
.LBB2_3:
0x45: {  	v4 =	vadd.f32 @p0 v4, v0  }
0x46: {  	v5 =	vadd.f32 @p0 v5, v0  }
0x47: {  	v8 =	vld @p0 [tilespmem:$0xB0];
	v2 =	vadd.f32 @p0 v2, v0;
	[tilespmem:$0xA0] =	vst @p0 v4  }
0x48: {  	v4 =	vadd.f32 @p0 v6, v0;
	[tilespmem:$0x80] =	vst @p0 v5  }
0x49: {  	[tilespmem:$0xE0] =	vst @p0 v2;
	v1 =	vadd.f32 @p0 v1, v0  }
0x4a: {  	v2 =	vadd.f32 @p0 v3, v0;
	[tilespmem:$0xD0] =	vst @p0 v4  }
0x4b: {  	v5 =	vadd.f32 @p0 v7, v0;
	[tilespmem:$0x90] =	vst @p0 v1  }
0x4c: {  	v0 =	vadd.f32 @p0 v8, v0;
	[tilespmem:$0xF0] =	vst @p0 v2  }
0x4d: {  	[tilespmem:$0xC0] =	vst @p0 v5  }
0x4e: {  	[tilespmem:$0xB0] =	vst @p0 v0  }
0x4f: {  	[hbm4b:s3+s2] =	stream.linear.scatter @p0 [tilespmem:s4], [sflag:$0x4], $0x80, $0x38;
	[tilespmem:$0x180] =	vst v63  }
0x50: {  	_ =	swait.ge @p0 [sflag:s5], $0x80  }
0x51: {  	[sflag:s5] =	ssyncset.done @p0 $0x0  }
0x52: {  	[sflag:s5] =	ssyncadd.s32 @p0 $0xFFFFFF80  }
0x53: {  	[tilespmem:s2], [sflag:$0x1] =	stream.linear.gather [hbm4b:s10+s2], $0x80, $0x38;
	[tilespmem:$0x180] =	vst v63  }
0x54: {  	_ = 	snop  }
0x55: {  	[tilespmem:s12], [sflag:$0x2] =	stream.linear.gather [hbm4b:s7+s2], $0x80, $0x38;
	[tilespmem:$0x180] =	vst v63  }
0x56: {  	_ =	swait.ge [sflag:s11], $0x80  }
0x57: {  	[sflag:s11] =	ssyncset.done $0x0  }
0x58: {  	[sflag:s11] =	ssyncadd.s32 $0xFFFFFF80  }
0x59: {  	[tilespmem:s4], [sflag:$0x3] =	stream.indirect.gather [hbm4b:s6+s4], $0x1, s2, s4, $0xb8;
	[tilespmem:$0x180] =	vst v63  }
0x5a: {  	_ =	swait.ge [sflag:s9], $0x80  }
0x5b: {  	[sflag:s9] =	ssyncset.done $0x0  }
0x5c: {  	[sflag:s9] =	ssyncadd.s32 $0xFFFFFF80  }
0x5d: {  	_ =	swait.ge [sflag:s8], $0x80  }
0x5e: {  	[sflag:s8] =	ssyncset.done $0x0  }
0x5f: {  	[sflag:s8] =	ssyncadd.s32 $0xFFFFFF80  }
0x60: {  	v51 =	vld [tilespmem:$0xA0]  }
0x61: {  	v52 =	vld [tilespmem:$0x100]  }
0x62: {  	v53 =	vld [tilespmem:$0x80]  }
0x63: {  	v54 =	vld [tilespmem:$0xE0]  }
0x64: {  	v55 =	vld [tilespmem:$0xD0]  }
0x65: {  	v56 =	vld [tilespmem:$0xC0]  }
0x66: {  	v57 =	vld [tilespmem:$0xF0];
	v0 =	vadd.f32 v51, v52  }
0x67: {  	v58 =	vld [tilespmem:$0x90];
	v2 =	vadd.f32 v53, v52  }
0x68: {  	v59 =	vld [tilespmem:$0xB0];
	v3 =	vadd.f32 v54, v52;
	[tilespmem:$0xA0] =	vst v0  }
0x69: {  	v60 =	vadd.f32 v55, v52;
	[tilespmem:$0x80] =	vst v2  }
0x6a: {  	v61 =	vadd.f32 v56, v52;
	[tilespmem:$0xE0] =	vst v3  }
0x6b: {  	v62 =	vadd.f32 v57, v52;
	[tilespmem:$0xD0] =	vst v60  }
0x6c: {  	v63 =	vadd.f32 v58, v52;
	[tilespmem:$0xC0] =	vst v61  }
0x6d: {  	v1 =	vadd.f32 v59, v52;
	[tilespmem:$0xF0] =	vst v62  }
0x6e: {  	[tilespmem:$0x90] =	vst v63  }
0x6f: {  	[tilespmem:$0xB0] =	vst v1  }
0x70: {  	[hbm4b:s3+s2] =	stream.linear.scatter [tilespmem:s4], [sflag:$0x4], $0x80, $0x38;
	[tilespmem:$0x180] =	vst v63  }
0x71: {  	_ =	swait.ge [sflag:s5], $0x80  }
0x72: {  	[sflag:s5] =	ssyncset.done $0x0  }
0x73: {  	[sflag:s5] =	ssyncadd.s32 $0xFFFFFF80  }
0x74: {  	_ =	sfence.sel $0x180000  }
0x75: {  	[bflag:$0x0] =	sbarrier.arrive $0xFFFF  }
0x76: {  	p0 =	sne.s32 s1, $0x0;
	_ =	strace $0x90000047  }
0x77: {  	s0 =	sadd.s32 @!p0 $0x100000, s0;
	[bflag:$0x2] =	sbarrier.arrive $0xFFFF  }
0x78: {  	[sflag:s0] =	ssyncadd.tile.s32 @!p0 $0x1;
	_ =	shalt  }
.Lfunc_end2:
_tile_overlayer_lowered:
.L_overlay_start_2:
0x79: {  	(tag) =	ssettag $0x2  }
0x7a: {  	s0 =	rddreg [dreg:$0x0];
	s2 =	stileid.u32  }
0x7b: {  	s1 =	rddreg [dreg:$0x1];
	p0 =	sne.s32 s2, $0x0  }
0x7c: {  	s3 =	rddreg [dreg:$0x2];
	[bflag:$0x3] =	sbarrier.arrive $0xFFFF;
	s2 =	simm.s32 @!p0 $0x1C04  }
0x7d: {  	[timem:s3], [sflag:s2] =	dma.local @!p0 [hbm:s0], s1  }
0x7e: {  	s0 =	simm.s32 @!p0 $0x4  }
0x7f: {  	_ =	swait.ge @!p0 [sflag:s0], s1  }
0x80: {  	s1 =	ssub.s32 @!p0 $0x0, s1;
	[sflag:s0] =	ssyncset.done @!p0 $0x0  }
0x81: {  	[sflag:s0] =	ssyncadd.s32 @!p0 s1  }
0x82: {  	[bflag:$0x3] =	sbarrier.arrive $0xFFFF  }
0x83: {  	_ =	shalt  }

</sc_bundles>
